<compile_context>
chip_gen: v7x
topology: tpu7x:2x2x1
jax: 0.10.2.dev20260603
libtpu: 0.0.44.dev20260713+nightly
codegen_flags: <defaults>
</compile_context>

<pallas_src>
import functools

import jax
import jax.numpy as jnp
from jax import lax
from jax.experimental import pallas as pl
from jax.experimental.pallas import tpu as pltpu
from jax.experimental.pallas import tpu_sc as plsc

VOCAB = 100000
EMBED_DIM = 16
BATCH = 16384

_INFO = plsc.get_sparse_core_info()
_NC = _INFO.num_cores
_NS = _INFO.num_subcores
_L = _INFO.num_lanes
_B_HALF = BATCH // _NC

_MESH = plsc.VectorSubcoreMesh(core_axis_name="c", subcore_axis_name="s")


@functools.partial(
    pl.kernel,
    mesh=_MESH,
    out_type=jax.ShapeDtypeStruct((EMBED_DIM, BATCH), jnp.float32),
    scratch_types=[
        pltpu.VMEM((VOCAB + 1,), jnp.float32),
        pltpu.VMEM((_B_HALF,), jnp.int32),
        pltpu.VMEM((_B_HALF,), jnp.float32),
        pltpu.VMEM_SHARED((_B_HALF,), jnp.int32),
        pltpu.SemaphoreType.DMA,
        pltpu.SemaphoreType.DMA,
    ],
    compiler_params=pltpu.CompilerParams(
        use_tc_tiling_on_sc=True, needs_layout_passes=False
    ),
)
def _embed_gather(
    idx_hbm, tableT_hbm, outT_hbm, slab_v, idx_v, out_v, idx_sh, sem_a, sem_b
):
    c = lax.axis_index("c")
    s = lax.axis_index("s")
    cp_slab = pltpu.async_copy(tableT_hbm.at[s], slab_v, sem_a)

    @pl.when(s == 0)
    def _():
        pltpu.sync_copy(idx_hbm.at[pl.ds(c * _B_HALF, _B_HALF)], idx_sh)

    plsc.subcore_barrier()
    pltpu.sync_copy(idx_sh, idx_v)
    cp_slab.wait()

    half = _B_HALF // 2
    out_copies = []
    for h in range(2):

        @plsc.parallel_loop(h * (half // _L), (h + 1) * (half // _L), unroll=8)
        def _(i):
            sl = pl.ds(i * _L, _L)
            iv = idx_v[sl] + 1
            out_v[sl] = plsc.load_gather(slab_v, [iv])

        out_copies.append(
            pltpu.async_copy(
                out_v.at[pl.ds(h * half, half)],
                outT_hbm.at[s, pl.ds(c * _B_HALF + h * half, half)],
                sem_b,
            )
        )
    for cp in out_copies:
        cp.wait()


def kernel(source_id, table):
    outT = _embed_gather(source_id.astype(jnp.int32), table.T)
    return outT.T

# --- scband reference (transcript-rebuilt; emitter-appended) ---
"""Pipeline reference for scband-source-model-22917945491554 (READ-ONLY COPY).

The authoritative reference and input builder live on the scoring server;
editing this copy changes nothing except your own understanding.
"""

import jax, jax.numpy as jnp
import numpy as np

VOCAB = 100000
EMBED_DIM = 16
BATCH = 16384

def setup_inputs(seed: int = 0) -> dict:
    key = jax.random.key(seed)
    k_idx, k_tab = jax.random.split(key)
    # raw source ids in [0, VOCAB); IntegerLookup shifts into [1, VOCAB] leaving 0 for OOV
    source_id = jax.random.randint(k_idx, (BATCH,), 0, VOCAB, dtype=jnp.int64)
    # Embedding table sized num_embeddings = VOCAB + 1 (extra row 0 for OOV/mask slot)
    table = jax.random.normal(k_tab, (VOCAB + 1, EMBED_DIM), dtype=jnp.float32) * 0.05
    return {"source_id": source_id, "table": table}

def reference(source_id, table):
    # IntegerLookup(vocabulary=VOCAB, mask_token=None): map raw id -> id + 1 (0 reserved for OOV)
    lookup_idx = source_id + 1
    # Embedding lookup (SparseCore gather)
    return jnp.take(table, lookup_idx, axis=0)

if __name__ == "__main__":
    import jax
    _d = setup_inputs()
    print(jax.jit(kernel)(*tuple(_d.values())))

</pallas_src>

<mosaic_0001>
#map = affine_map<(d0, d1) -> (0)>
#map1 = affine_map<(d0, d1) -> (0, 0)>
module attributes {stable_mosaic.version = 14 : i64} {
  func.func @_embed_gather(%arg0: i32, %arg1: i32, %arg2: memref<16384xi32, #tpu.memory_space<hbm>>, %arg3: memref<16x100001xf32, #tpu.memory_space<hbm>>, %arg4: memref<16x16384xf32, #tpu.memory_space<hbm>>, %arg5: memref<100001xf32, #tpu.memory_space<vmem>>, %arg6: memref<8192xi32, #tpu.memory_space<vmem>>, %arg7: memref<8192xf32, #tpu.memory_space<vmem>>, %arg8: memref<8192xi32, #tpu.memory_space<vmem_shared>>, %arg9: memref<!tpu.dma_semaphore, #tpu.memory_space<semaphore_mem>>, %arg10: memref<!tpu.dma_semaphore, #tpu.memory_space<semaphore_mem>>) attributes {dimension_semantics = [#tpu.dimension_semantics<core_parallel>, #tpu.dimension_semantics<subcore_parallel>], iteration_bounds = array<i64: 2, 16>, scalar_prefetch = 0 : i64, scratch_operands = 6 : i64, tpu.core_type = #tpu.core_type<sc_vector_subcore>, window_params = [{transform_indices = #map}, {transform_indices = #map1}, {transform_indices = #map1}]} {
    %dma_start3A = arith.constant 0 : i32
    %dma_start3A_0 = tpu.memref_slice %arg3[%arg1, %dma_start3A] : memref<16x100001xf32, #tpu.memory_space<hbm>> -> memref<1x100001xf32, #tpu.memory_space<hbm>>
    %dma_start3A_1 = tpu.memref_squeeze %dma_start3A_0 : memref<1x100001xf32, #tpu.memory_space<hbm>> -> memref<100001xf32, #tpu.memory_space<hbm>>
    %dma_start3A_2 = arith.constant 0 : i32
    %dma_start3A_3 = tpu.memref_slice %arg3[%arg1, %dma_start3A_2] : memref<16x100001xf32, #tpu.memory_space<hbm>> -> memref<1x100001xf32, #tpu.memory_space<hbm>>
    %dma_start3A_4 = tpu.memref_squeeze %dma_start3A_3 : memref<1x100001xf32, #tpu.memory_space<hbm>> -> memref<100001xf32, #tpu.memory_space<hbm>>
    tpu.enqueue_dma source(%dma_start3A_4 : memref<100001xf32, #tpu.memory_space<hbm>>) target(%arg5 : memref<100001xf32, #tpu.memory_space<vmem>>) target_semaphore(%arg9 : memref<!tpu.dma_semaphore, #tpu.memory_space<semaphore_mem>>)
    %eq3A = arith.constant 0 : i32
    %eq3A_5 = arith.cmpi eq, %arg1, %eq3A : i32
    %convert_element_type3A = arith.extui %eq3A_5 : i1 to i32
    %cond3A = arith.constant 0 : i32
    %cond3A_6 = arith.cmpi ne, %convert_element_type3A, %cond3A : i32
    scf.if %cond3A_6 {
      %mul3A_55 = arith.constant 8192 : i32
      %mul3A_56 = arith.muli %arg0, %mul3A_55 : i32
      "tpu.region"() ({
        %run_scoped3A = tpu.sem_alloc : memref<!tpu.dma_semaphore, #tpu.memory_space<semaphore_mem>>
        %dma_start3A_57 = tpu.memref_slice %arg2[%mul3A_56] : memref<16384xi32, #tpu.memory_space<hbm>> -> memref<8192xi32, #tpu.memory_space<hbm>>
        tpu.enqueue_dma source(%dma_start3A_57 : memref<8192xi32, #tpu.memory_space<hbm>>) target(%arg8 : memref<8192xi32, #tpu.memory_space<vmem_shared>>) target_semaphore(%run_scoped3A : memref<!tpu.dma_semaphore, #tpu.memory_space<semaphore_mem>>)
        %dma_wait3A_58 = tpu.memref_slice %arg2[%mul3A_56] : memref<16384xi32, #tpu.memory_space<hbm>> -> memref<8192xi32, #tpu.memory_space<hbm>>
        tpu.wait_dma2 semaphore(%run_scoped3A : memref<!tpu.dma_semaphore, #tpu.memory_space<semaphore_mem>>) src(%dma_wait3A_58 : memref<8192xi32, #tpu.memory_space<hbm>>) dst(%arg8 : memref<8192xi32, #tpu.memory_space<vmem_shared>>)
        tpu.yield
      }) : () -> ()
    } else {
    }
    %barrier3A = arith.constant 0 : index
    tpu.barrier barrier_id(%barrier3A)
    "tpu.region"() ({
      %run_scoped3A = tpu.sem_alloc : memref<!tpu.dma_semaphore, #tpu.memory_space<semaphore_mem>>
      tpu.enqueue_dma source(%arg8 : memref<8192xi32, #tpu.memory_space<vmem_shared>>) target(%arg6 : memref<8192xi32, #tpu.memory_space<vmem>>) target_semaphore(%run_scoped3A : memref<!tpu.dma_semaphore, #tpu.memory_space<semaphore_mem>>)
      tpu.wait_dma2 semaphore(%run_scoped3A : memref<!tpu.dma_semaphore, #tpu.memory_space<semaphore_mem>>) src(%arg8 : memref<8192xi32, #tpu.memory_space<vmem_shared>>) dst(%arg6 : memref<8192xi32, #tpu.memory_space<vmem>>)
      tpu.yield
    }) : () -> ()
    %dma_wait3A = arith.constant 0 : i32
    %dma_wait3A_7 = tpu.memref_slice %arg3[%arg1, %dma_wait3A] : memref<16x100001xf32, #tpu.memory_space<hbm>> -> memref<1x100001xf32, #tpu.memory_space<hbm>>
    %dma_wait3A_8 = tpu.memref_squeeze %dma_wait3A_7 : memref<1x100001xf32, #tpu.memory_space<hbm>> -> memref<100001xf32, #tpu.memory_space<hbm>>
    %dma_wait3A_9 = arith.constant 0 : i32
    %dma_wait3A_10 = tpu.memref_slice %arg3[%arg1, %dma_wait3A_9] : memref<16x100001xf32, #tpu.memory_space<hbm>> -> memref<1x100001xf32, #tpu.memory_space<hbm>>
    %dma_wait3A_11 = tpu.memref_squeeze %dma_wait3A_10 : memref<1x100001xf32, #tpu.memory_space<hbm>> -> memref<100001xf32, #tpu.memory_space<hbm>>
    tpu.wait_dma2 semaphore(%arg9 : memref<!tpu.dma_semaphore, #tpu.memory_space<semaphore_mem>>) src(%dma_wait3A_11 : memref<100001xf32, #tpu.memory_space<hbm>>) dst(%arg5 : memref<100001xf32, #tpu.memory_space<vmem>>)
    %parallel_loop3A = arith.constant 0 : i32
    %parallel_loop3A_12 = arith.constant 256 : i32
    %parallel_loop3A_13 = arith.constant 1 : i32
    scf.for %parallel_loop3A_55 = %parallel_loop3A to %parallel_loop3A_12 step %parallel_loop3A_13  : i32 {
      %parallel_loop3A_56 = arith.constant 16 : i32
      %parallel_loop3A_57 = arith.muli %parallel_loop3A_55, %parallel_loop3A_56 : i32
      %parallel_loop3A_58 = arith.index_cast %parallel_loop3A_57 : i32 to index
      %parallel_loop3A_59 = tpu.vector_load %arg6[%parallel_loop3A_58] {strides = array<i32>} : memref<8192xi32, #tpu.memory_space<vmem>>, vector<16xi32>,
      %parallel_loop3A_60 = arith.constant 1 : i32
      %parallel_loop3A_61 = vector.broadcast %parallel_loop3A_60 : i32 to vector<16xi32>
      %parallel_loop3A_62 = arith.addi %parallel_loop3A_59, %parallel_loop3A_61 : vector<16xi32>
      %parallel_loop3A_63 = tpu.vector_load_idx %arg5[%parallel_loop3A_62] : memref<100001xf32, #tpu.memory_space<vmem>>[vector<16xi32>], vector<16xf32>,
      %parallel_loop3A_64 = arith.index_cast %parallel_loop3A_57 : i32 to index
      %parallel_loop3A_65 = tpu.vector_load %arg7[%parallel_loop3A_64] {strides = array<i32>} : memref<8192xf32, #tpu.memory_space<vmem>>, vector<16xf32>,
      tpu.vector_store %arg7[%parallel_loop3A_64], %parallel_loop3A_63 {strides = array<i32>} : memref<8192xf32, #tpu.memory_space<vmem>>, vector<16xf32>,
    } {sc.loop_unroll_factor = 8 : i64, sc.parallel_access}
    %mul3A = arith.constant 8192 : i32
    %mul3A_14 = arith.muli %arg0, %mul3A : i32
    %add3A = arith.constant 0 : i32
    %add3A_15 = arith.addi %mul3A_14, %add3A : i32
    %dma_start3A_16 = arith.constant 0 : i32
    %dma_start3A_17 = tpu.memref_slice %arg7[%dma_start3A_16] : memref<8192xf32, #tpu.memory_space<vmem>> -> memref<4096xf32, #tpu.memory_space<vmem>>
    %dma_start3A_18 = tpu.memref_slice %arg4[%arg1, %add3A_15] : memref<16x16384xf32, #tpu.memory_space<hbm>> -> memref<1x4096xf32, #tpu.memory_space<hbm>>
    %dma_start3A_19 = tpu.memref_squeeze %dma_start3A_18 : memref<1x4096xf32, #tpu.memory_space<hbm>> -> memref<4096xf32, #tpu.memory_space<hbm>>
    %dma_start3A_20 = tpu.memref_slice %arg4[%arg1, %add3A_15] : memref<16x16384xf32, #tpu.memory_space<hbm>> -> memref<1x4096xf32, #tpu.memory_space<hbm>>
    %dma_start3A_21 = tpu.memref_squeeze %dma_start3A_20 : memref<1x4096xf32, #tpu.memory_space<hbm>> -> memref<4096xf32, #tpu.memory_space<hbm>>
    %dma_start3A_22 = arith.constant 0 : i32
    %dma_start3A_23 = tpu.memref_slice %arg7[%dma_start3A_22] : memref<8192xf32, #tpu.memory_space<vmem>> -> memref<4096xf32, #tpu.memory_space<vmem>>
    tpu.enqueue_dma source(%dma_start3A_23 : memref<4096xf32, #tpu.memory_space<vmem>>) target(%dma_start3A_21 : memref<4096xf32, #tpu.memory_space<hbm>>) target_semaphore(%arg10 : memref<!tpu.dma_semaphore, #tpu.memory_space<semaphore_mem>>)
    %parallel_loop3A_24 = arith.constant 256 : i32
    %parallel_loop3A_25 = arith.constant 512 : i32
    %parallel_loop3A_26 = arith.constant 1 : i32
    scf.for %parallel_loop3A_55 = %parallel_loop3A_24 to %parallel_loop3A_25 step %parallel_loop3A_26  : i32 {
      %parallel_loop3A_56 = arith.constant 16 : i32
      %parallel_loop3A_57 = arith.muli %parallel_loop3A_55, %parallel_loop3A_56 : i32
      %parallel_loop3A_58 = arith.index_cast %parallel_loop3A_57 : i32 to index
      %parallel_loop3A_59 = tpu.vector_load %arg6[%parallel_loop3A_58] {strides = array<i32>} : memref<8192xi32, #tpu.memory_space<vmem>>, vector<16xi32>,
      %parallel_loop3A_60 = arith.constant 1 : i32
      %parallel_loop3A_61 = vector.broadcast %parallel_loop3A_60 : i32 to vector<16xi32>
      %parallel_loop3A_62 = arith.addi %parallel_loop3A_59, %parallel_loop3A_61 : vector<16xi32>
      %parallel_loop3A_63 = tpu.vector_load_idx %arg5[%parallel_loop3A_62] : memref<100001xf32, #tpu.memory_space<vmem>>[vector<16xi32>], vector<16xf32>,
      %parallel_loop3A_64 = arith.index_cast %parallel_loop3A_57 : i32 to index
      %parallel_loop3A_65 = tpu.vector_load %arg7[%parallel_loop3A_64] {strides = array<i32>} : memref<8192xf32, #tpu.memory_space<vmem>>, vector<16xf32>,
      tpu.vector_store %arg7[%parallel_loop3A_64], %parallel_loop3A_63 {strides = array<i32>} : memref<8192xf32, #tpu.memory_space<vmem>>, vector<16xf32>,
    } {sc.loop_unroll_factor = 8 : i64, sc.parallel_access}
    %mul3A_27 = arith.constant 8192 : i32
    %mul3A_28 = arith.muli %arg0, %mul3A_27 : i32
    %add3A_29 = arith.constant 4096 : i32
    %add3A_30 = arith.addi %mul3A_28, %add3A_29 : i32
    %dma_start3A_31 = arith.constant 4096 : i32
    %dma_start3A_32 = tpu.memref_slice %arg7[%dma_start3A_31] : memref<8192xf32, #tpu.memory_space<vmem>> -> memref<4096xf32, #tpu.memory_space<vmem>>
    %dma_start3A_33 = tpu.memref_slice %arg4[%arg1, %add3A_30] : memref<16x16384xf32, #tpu.memory_space<hbm>> -> memref<1x4096xf32, #tpu.memory_space<hbm>>
    %dma_start3A_34 = tpu.memref_squeeze %dma_start3A_33 : memref<1x4096xf32, #tpu.memory_space<hbm>> -> memref<4096xf32, #tpu.memory_space<hbm>>
    %dma_start3A_35 = tpu.memref_slice %arg4[%arg1, %add3A_30] : memref<16x16384xf32, #tpu.memory_space<hbm>> -> memref<1x4096xf32, #tpu.memory_space<hbm>>
    %dma_start3A_36 = tpu.memref_squeeze %dma_start3A_35 : memref<1x4096xf32, #tpu.memory_space<hbm>> -> memref<4096xf32, #tpu.memory_space<hbm>>
    %dma_start3A_37 = arith.constant 4096 : i32
    %dma_start3A_38 = tpu.memref_slice %arg7[%dma_start3A_37] : memref<8192xf32, #tpu.memory_space<vmem>> -> memref<4096xf32, #tpu.memory_space<vmem>>
    tpu.enqueue_dma source(%dma_start3A_38 : memref<4096xf32, #tpu.memory_space<vmem>>) target(%dma_start3A_36 : memref<4096xf32, #tpu.memory_space<hbm>>) target_semaphore(%arg10 : memref<!tpu.dma_semaphore, #tpu.memory_space<semaphore_mem>>)
    %dma_wait3A_39 = arith.constant 0 : i32
    %dma_wait3A_40 = tpu.memref_slice %arg7[%dma_wait3A_39] : memref<8192xf32, #tpu.memory_space<vmem>> -> memref<4096xf32, #tpu.memory_space<vmem>>
    %dma_wait3A_41 = tpu.memref_slice %arg4[%arg1, %add3A_15] : memref<16x16384xf32, #tpu.memory_space<hbm>> -> memref<1x4096xf32, #tpu.memory_space<hbm>>
    %dma_wait3A_42 = tpu.memref_squeeze %dma_wait3A_41 : memref<1x4096xf32, #tpu.memory_space<hbm>> -> memref<4096xf32, #tpu.memory_space<hbm>>
    %dma_wait3A_43 = tpu.memref_slice %arg4[%arg1, %add3A_15] : memref<16x16384xf32, #tpu.memory_space<hbm>> -> memref<1x4096xf32, #tpu.memory_space<hbm>>
    %dma_wait3A_44 = tpu.memref_squeeze %dma_wait3A_43 : memref<1x4096xf32, #tpu.memory_space<hbm>> -> memref<4096xf32, #tpu.memory_space<hbm>>
    %dma_wait3A_45 = arith.constant 0 : i32
    %dma_wait3A_46 = tpu.memref_slice %arg7[%dma_wait3A_45] : memref<8192xf32, #tpu.memory_space<vmem>> -> memref<4096xf32, #tpu.memory_space<vmem>>
    tpu.wait_dma2 semaphore(%arg10 : memref<!tpu.dma_semaphore, #tpu.memory_space<semaphore_mem>>) src(%dma_wait3A_46 : memref<4096xf32, #tpu.memory_space<vmem>>) dst(%dma_wait3A_44 : memref<4096xf32, #tpu.memory_space<hbm>>)
    %dma_wait3A_47 = arith.constant 4096 : i32
    %dma_wait3A_48 = tpu.memref_slice %arg7[%dma_wait3A_47] : memref<8192xf32, #tpu.memory_space<vmem>> -> memref<4096xf32, #tpu.memory_space<vmem>>
    %dma_wait3A_49 = tpu.memref_slice %arg4[%arg1, %add3A_30] : memref<16x16384xf32, #tpu.memory_space<hbm>> -> memref<1x4096xf32, #tpu.memory_space<hbm>>
    %dma_wait3A_50 = tpu.memref_squeeze %dma_wait3A_49 : memref<1x4096xf32, #tpu.memory_space<hbm>> -> memref<4096xf32, #tpu.memory_space<hbm>>
    %dma_wait3A_51 = tpu.memref_slice %arg4[%arg1, %add3A_30] : memref<16x16384xf32, #tpu.memory_space<hbm>> -> memref<1x4096xf32, #tpu.memory_space<hbm>>
    %dma_wait3A_52 = tpu.memref_squeeze %dma_wait3A_51 : memref<1x4096xf32, #tpu.memory_space<hbm>> -> memref<4096xf32, #tpu.memory_space<hbm>>
    %dma_wait3A_53 = arith.constant 4096 : i32
    %dma_wait3A_54 = tpu.memref_slice %arg7[%dma_wait3A_53] : memref<8192xf32, #tpu.memory_space<vmem>> -> memref<4096xf32, #tpu.memory_space<vmem>>
    tpu.wait_dma2 semaphore(%arg10 : memref<!tpu.dma_semaphore, #tpu.memory_space<semaphore_mem>>) src(%dma_wait3A_54 : memref<4096xf32, #tpu.memory_space<vmem>>) dst(%dma_wait3A_52 : memref<4096xf32, #tpu.memory_space<hbm>>)
    return
  }
}

</mosaic_0001>

<sc_bundles>
// kernel: kernel.3.cloned.1.call-start
scs
__scs_entry_jumppad:
0x0: {  	(pc) =	sbr.rel $0x88, $3  }
0x1: {  	(tag) =	ssettag $0x0;
	lr =	simm.s32 $0x1  }
0x2: {  	[smem:$0x3F9F] =	sst lr;
	_ =	strace $0xD0000000  }
0x3: {  	_ = 	snop  }
0x4: {  	_ = 	snop  }
0x5: {  	_ = 	snop  }
0x6: {  	_ = 	snop  }
0x7: {  	_ = 	snop  }
__scs_overlays_trampoline_lowered:
0x8: {  	[smem:$0x3FAE] =	sst s0  }
0x9: {  	[smem:$0x3FAF] =	sst s1  }
0xa: {  	[smem:$0x3FB0] =	sst s2  }
0xb: {  	[smem:$0x3FB1] =	sst s3  }
0xc: {  	[smem:$0x3FB2] =	sst s4  }
0xd: {  	[smem:$0x3FB3] =	sst s5  }
0xe: {  	[smem:$0x3FB4] =	sst s6  }
0xf: {  	[smem:$0x3FB5] =	sst s7  }
0x10: {  	[smem:$0x3FB6] =	sst s8  }
0x11: {  	[smem:$0x3FB7] =	sst s9;
	s0 =	simm.s32 @!p0 $0x0  }
0x12: {  	s1 =	sld [smem:$0x3F9D];
	s0 =	simm.s32 @p0 $0x1  }
0x13: {  	[smem:$0x3FB8] =	sst s0;
	s0 =	simm.s32 @!p1 $0x0  }
0x14: {  	s2 =	sld [smem:$0x3F9C];
	s0 =	simm.s32 @p1 $0x1  }
0x15: {  	[smem:$0x3FB9] =	sst s0;
	s0 =	simm.s32 @!p2 $0x0  }
0x16: {  	s3 =	sld [smem:$0x3FDB];
	s0 =	simm.s32 @p2 $0x1  }
0x17: {  	s4 =	simm.s32 $0x1BF5;
	[smem:$0x3FBB] =	sst s0  }
0x18: {  	s0 =	sld [smem:$0x3F9E];
	_ =	swait.ge [sflag:s4], $0x0  }
0x19: {  	s7 =	sld [smem:$0x3F9F]  }
0x1a: {  	s8 =	sadd.s32 $0xFFFFE003, lr  }
0x1b: {  	s9 =	sadd.s32 $0xFFFFFEF7, lr;
	s5 =	simm.s32 $0xFFFFFFFF;
	p2 =	slt.u32 s8, $0xFFFFF086  }
0x1c: {  	p1 =	slt.u32 s9, $0xF7A;
	s5 =	simm.s32 @!p2 $0x0  }
0x1d: {  	s5 =	simm.s32 @p1 $0x1;
	p0 =	seq.s32 s7, s2  }
0x1e: {  	s7 =	smul.u32 @!p0 $0xF7A, s2;
	p2 =	seq.s32 @!p0 s5, $0x0  }
0x1f: {  	s9 =	smul.u32 $0xF7A, s1;
	s8 =	simm.s32 @!p0 $0x1BF5;
	p2 =	por !p2, p0  }
0x20: {  	[sflag:s8] =	ssyncset.s32 @!p0 $0xFFFFF086;
	s6 =	sadd.s32 @!p0 s3, s7;
	s7 =	simm.s32 @!p0 $0x108  }
0x21: {  	s3 =	sadd.s32 s3, s9;
	s6 =	sadd.s32 @!p0 $0x88, s6;
	s7 =	simm.s32 @p2 $0x1082  }
0x22: {  	[simem:s7], [sflag:s8] =	dma.local @!p0 [hbm:s6], $0xF7A  }
0x23: {  	s9 =	sor.u32 $0xD0000000, s2;
	s6 =	simm.s32 $0x108;
	_ =	swait.ge @!p0 [sflag:s8], $0x0  }
0x24: {  	s3 =	sadd.s32 $0x88, s3;
	s6 =	simm.s32 @!p1 $0x1082;
	[sflag:s4] =	ssyncset.s32 $0xFFFFF086  }
0x25: {  	[simem:s6], [sflag:s4] =	dma.local [hbm:s3], $0xF7A  }
0x26: {  	[smem:$0x3F9F] =	sst s1;
	(tag) =	ssettag s2;
	_ =	strace s9  }
0x27: {  	s1 =	sld [smem:$0x3FAF]  }
0x28: {  	s2 =	sld [smem:$0x3FB0]  }
0x29: {  	s4 =	sld [smem:$0x3FB2]  }
0x2a: {  	p0 =	seq.s32 s5, $0x0;
	s5 =	sld [smem:$0x3FB3]  }
0x2b: {  	s6 =	sld [smem:$0x3FB4]  }
0x2c: {  	s7 =	sld [smem:$0x3FB5]  }
0x2d: {  	s3 =	simm.s32 $0x108;
	s8 =	sld [smem:$0x3FB6]  }
0x2e: {  	s3 =	simm.s32 @!p0 $0x1082;
	s9 =	sld [smem:$0x3FB7]  }
0x2f: {  	lr =	sadd.s32 s0, s3;
	s0 =	sld [smem:$0x3FAE]  }
0x30: {  	s3 =	sld [smem:$0x3FB1]  }
0x31: {  	[smem:$0x3FBA] =	sst s10  }
0x32: {  	s10 =	sld [smem:$0x3FB8];
	_ =	sdelay $0x3  }
0x33: {  	p0 =	seq.s32 s10, $0x1;
	s10 =	sld [smem:$0x3FBA];
	_ =	sdelay $0x3  }
0x34: {  	[smem:$0x3FBA] =	sst s10  }
0x35: {  	s10 =	sld [smem:$0x3FB9];
	_ =	sdelay $0x3  }
0x36: {  	p1 =	seq.s32 s10, $0x1;
	s10 =	sld [smem:$0x3FBA];
	_ =	sdelay $0x3  }
0x37: {  	[smem:$0x3FBA] =	sst s10  }
0x38: {  	s10 =	sld [smem:$0x3FBB]  }
0x39: {  	_ = 	snop;
	(pc) =	sbr.ind lr, $3  }
0x3a: {  	_ = 	snop  }
0x3b: {  	_ = 	snop  }
0x3c: {  	p2 =	seq.s32 s10, $0x1;
	s10 =	sld [smem:$0x3FBA]  }
0x3d: {  	_ =	shalt  }
0x3e: {  	_ =	shalt  }
0x3f: {  	_ =	shalt  }
0x40: {  	_ =	shalt  }
0x41: {  	_ =	shalt  }
0x42: {  	_ =	shalt  }
0x43: {  	_ =	shalt  }
0x44: {  	_ =	shalt  }
0x45: {  	_ =	shalt  }
0x46: {  	_ =	shalt  }
0x47: {  	_ =	shalt  }
0x48: {  	_ =	shalt  }
0x49: {  	_ =	shalt  }
0x4a: {  	_ =	shalt  }
0x4b: {  	_ =	shalt  }
0x4c: {  	_ =	shalt  }
0x4d: {  	_ =	shalt  }
0x4e: {  	_ =	shalt  }
0x4f: {  	_ =	shalt  }
0x50: {  	_ =	shalt  }
0x51: {  	_ =	shalt  }
0x52: {  	_ =	shalt  }
0x53: {  	_ =	shalt  }
0x54: {  	_ =	shalt  }
0x55: {  	_ =	shalt  }
0x56: {  	_ =	shalt  }
0x57: {  	_ =	shalt  }
0x58: {  	_ =	shalt  }
0x59: {  	_ =	shalt  }
0x5a: {  	_ =	shalt  }
0x5b: {  	_ =	shalt  }
0x5c: {  	_ =	shalt  }
0x5d: {  	_ =	shalt  }
0x5e: {  	_ =	shalt  }
0x5f: {  	_ =	shalt  }
0x60: {  	_ =	shalt  }
0x61: {  	_ =	shalt  }
0x62: {  	_ =	shalt  }
0x63: {  	_ =	shalt  }
0x64: {  	_ =	shalt  }
0x65: {  	_ =	shalt  }
0x66: {  	_ =	shalt  }
0x67: {  	_ =	shalt  }
0x68: {  	_ =	shalt  }
0x69: {  	_ =	shalt  }
0x6a: {  	_ =	shalt  }
0x6b: {  	_ =	shalt  }
0x6c: {  	_ =	shalt  }
0x6d: {  	_ =	shalt  }
0x6e: {  	_ =	shalt  }
0x6f: {  	_ =	shalt  }
0x70: {  	_ =	shalt  }
0x71: {  	_ =	shalt  }
0x72: {  	_ =	shalt  }
0x73: {  	_ =	shalt  }
0x74: {  	_ =	shalt  }
0x75: {  	_ =	shalt  }
0x76: {  	_ =	shalt  }
0x77: {  	_ =	shalt  }
0x78: {  	_ =	shalt  }
0x79: {  	_ =	shalt  }
0x7a: {  	_ =	shalt  }
0x7b: {  	_ =	shalt  }
0x7c: {  	_ =	shalt  }
0x7d: {  	_ =	shalt  }
0x7e: {  	_ =	shalt  }
0x7f: {  	_ =	shalt  }
0x80: {  	_ =	shalt  }
0x81: {  	_ =	shalt  }
0x82: {  	_ =	shalt  }
0x83: {  	_ =	shalt  }
0x84: {  	_ =	shalt  }
0x85: {  	_ =	shalt  }
0x86: {  	_ =	shalt  }
0x87: {  	_ =	shalt  }
.Lfunc_end0:
.L_simem_size_0:
called_computation_lowered:
.L_overlay_start_0:
0x88: {  	s2 =	sld [smem:$0x3FD9]  }
0x89: {  	s3 =	sld [smem:$0x3FFE];
	_ =	sdelay $0x1  }
0x8a: {  	s1 =	srdreg.scid  }
0x8b: {  	s0 =	sand.u32 $0x1, s1  }
0x8c: {  	s18 =	sshll.u32 s0, $0xA;
	s2 =	sadd.s32 s3, s2  }
0x8d: {  	s2 =	sadd.s32 s2, s18  }
0x8e: {  	[smem:$0x3FC6] =	sst s2  }
0x8f: {  	_ = 	snop  }
0x90: {  	s2 =	sld [smem:$0x3FC9]  }
0x91: {  	s19 =	sld [smem:$0x3FC8]  }
0x92: {  	s4 =	sld [smem:$0x3FD0];
	(tm) =	ssettm $0x1  }
0x93: {  	s5 =	sld [smem:$0x3FFB];
	_ =	sdelay $0x3  }
0x94: {  	_ =	strace s5  }
0x95: {  	s5 =	sld [smem:$0x3FFC];
	_ =	sdelay $0x3  }
0x96: {  	_ =	strace s5  }
0x97: {  	s5 =	sld [smem:$0x3FFD];
	_ =	sdelay $0x3  }
0x98: {  	_ =	strace s5  }
0x99: {  	_ =	strace $0x8FFFFFFF  }
0x9a: {  	s20 =	sld [smem:$0x3FDB];
	_ =	sdelay $0x1  }
0x9b: {  	s6 =	simm.s32 $_scs_section_size  }
0x9c: {  	s7 =	simm.s32 $_size__tile_overlayer_lowered;
	s8 =	simm.s32 $_tile_overlayer_lowered  }
0x9d: {  	s23 =	simm.s32 $0x1BFF;
	s22 =	sshll.u32 s8, $0x1;
	s5 =	sadd.s32 s6, s20  }
0x9e: {  	s9 =	simm.s32 $0x0;
	s21 =	sshll.u32 s7, $0x1;
	s7 =	sadd.s32 s22, s5  }
0x9f: {  	[timem:s9], [sflag:s23] =	dma.local [hbm:s7], s21  }
0xa0: {  	_ =	swait.ge [sflag:s23], s21  }
0xa1: {  	s6 =	ssub.s32 $0x0, s21;
	[sflag:s23] =	ssyncset.done $0x0  }
0xa2: {  	[sflag:s23] =	ssyncadd.s32 s6;
	_ =	sdelay $0x1  }
0xa3: {  	s24 =	simm.s32 $0x1B8B  }
0xa4: {  	_ =	swait.ge [sflag:s24], $0x1  }
0xa5: {  	[sflag:s24] =	ssyncset.done $0x0  }
0xa6: {  	s25 =	simm.s32 $0x1B8E;
	[sflag:s24] =	ssyncadd.s32 $0xFFFFFFFF  }
0xa7: {  	s26 =	simm.s32 $execute0_lowered;
	[smem:$0x3FD2] =	sst s25  }
0xa8: {  	s6 =	sshll.u32 s26, $0x1;
	_ =	strace $0x80000046;
	[dreg:$0x1] =	wrdreg $0xFFFFFFFF  }
0xa9: {  	s28 =	simm.s32 $_size_execute0_lowered;
	s5 =	sadd.s32 s5, s6;
	[dreg:$0x0] =	wrdreg $0x0  }
0xaa: {  	s6 =	sshll.u32 s28, $0x1;
	[dreg:$0x2] =	wrdreg s5  }
0xab: {  	[dreg:$0x3] =	wrdreg s6  }
0xac: {  	[dreg:$0x4] =	wrdreg $0xC0  }
0xad: {  	_ =	task [dreg:s9], $0x5FFFF  }
0xae: {  	[dreg:$0x1] =	wrdreg $0xFFFFFFFF  }
0xaf: {  	[dreg:$0x0] =	wrdreg $0x60  }
0xb0: {  	[dreg:$0x2] =	wrdreg s2  }
0xb1: {  	[dreg:$0x3] =	wrdreg s19  }
0xb2: {  	[dreg:$0x4] =	wrdreg s4  }
0xb3: {  	[dreg:$0x5] =	wrdreg $0x1C7000  }
0xb4: {  	[dreg:$0x6] =	wrdreg $0x9  }
0xb5: {  	_ =	task.clear_ibuf [dreg:s9], $0x7FFFF;
	_ =	strace $0x90000046  }
0xb6: {  	s29 =	simm.s32 $0x9;
	_ =	strace $0x80000048  }
0xb7: {  	_ =	swait.ge [sflag:s29], $0x1  }
0xb8: {  	[sflag:s29] =	ssyncadd.s32 $0xFFFFFFFF  }
0xb9: {  	_ =	strace $0x90000048  }
0xba: {  	_ =	sfence  }
0xbb: {  	s30 =	sld [smem:$0x0];
	_ =	sdelay $0x2  }
0xbc: {  	s31 =	sshll.u32 s1, $0xD;
	s1 =	sshrl.u32 s1, $0x2  }
0xbd: {  	s3 =	sand.u32 $0x4000, s31;
	s1 =	sadd.s32 s1, s30  }
0xbe: {  	s0 =	sor.u32 s3, s0;
	s1 =	sshll.u32 s1, $0x11  }
0xbf: {  	s0 =	sor.u32 s1, s0  }
0xc0: {  	s0 =	sadd.s32 $0x8F2B, s0  }
0xc1: {  	[sflag:s0] =	ssyncadd.remote.s32 $0x1  }
0xc2: {  	_ =	sfence.sel $0xFFFF  }
0xc3: {  	[dreg:$0x0] =	wrdreg $0xFFFFFFFF;
	(pc) =	sbr.abs _section_cstart, $3  }
0xc4: {  	[dreg:$0x1] =	wrdreg $0xFFFFFFFF  }
0xc5: {  	_ =	task.clear_ibuf [dreg:s9], $0x2FFFF;
	_ =	strace $0x9FFFFFFF  }
0xc6: {  	(tm) =	ssettm $0x7FFFFFFF  }
0xc7: {  	_ =	shalt  }
tec
execute0_lowered:
.L_overlay_start_1:
0x0: {  	(tag) =	ssettag $0x1  }
0x1: {  	s5 =	rddreg [dreg:$0x0]  }
0x2: {  	s4 =	rddreg [dreg:$0x1]  }
0x3: {  	s3 =	rddreg [dreg:$0x2]  }
0x4: {  	s1 =	rddreg [dreg:$0x3]  }
0x5: {  	s0 =	rddreg [dreg:$0x4];
	s6 =	srdreg.scid  }
0x6: {  	s2 =	simm.s32 $0x0;
	s8 =	stileid.u32;
	s13 =	simm.s32 $0x1  }
0x7: {  	s14 =	simm.s32 $0x1A700;
	s15 =	simm.s32 $0x1B700;
	s16 =	simm.s32 $0x2  }
0x8: {  	s17 =	simm.s32 $0x0;
	s6 =	sand.u32 $0x1, s6;
	[smem:$0x7FF] =	sst s2  }
0x9: {  	s9 =	sshrl.u32 s8, $0x3;
	s10 =	sshll.u32 s8, $0x7;
	p0 =	sne.s32 s8, $0x0  }
0xa: {  	s8 =	simm.s32 $0x80;
	s7 =	ssub.s32 $0x2, s6;
	s11 =	sshll.u32 s9, $0x11  }
0xb: {  	s12 =	sshll.u32 s6, $0x10;
	s10 =	sand.u32 $0x380, s10;
	s9 =	smul.u32 $0xC3800, s9  }
0xc: {  	_ =	strace $0x80000047;
	s6 =	sshll.u32 s6, $0xA;
	s11 =	sor.u32 s12, s11  }
0xd: {  	s30 =	sshrl.u32 s7, $0x1;
	s5 =	sadd.s32 s5, s6;
	s12 =	simm.s32 $0x3  }
0xe: {  	s11 =	sor.u32 s10, s11;
	s7 =	ssub.s32 s7, s30;
	s9 =	sor.u32 s10, s9  }
0xf: {  	s10 =	sshrl.u32 @!p0 s1, $0x3;
	s31 =	sshrl.u32 s11, $0x3;
	s9 =	sshrl.u32 s9, $0x3  }
0x10: {  	s7 =	smax.u32 s7, $0x1;
	s11 =	simm.s32 $0x18700;
	s3 =	sadd.s32 s3, s31  }
0x11: {  	s4 =	sadd.s32 s4, s9;
	s9 =	simm.s32 $0x400;
	s6 =	sadd.s32 $0x1000, s3  }
.LBB2_1:
0x12: {  	[tilespmem:s2], [sflag:$0x1] =	stream.strided.gather [hbm4b:s4+s8], $0x18700, s9, s8, $0x38;
	[tilespmem:$0x1C900] =	vst v63  }
0x13: {  	s18 =	simm.s32 @!p0 $0x1C03  }
0x14: {  	[spmem:s10], [sflag:s18] =	dma.local @!p0 [hbm:s5], $0x400  }
0x15: {  	s18 =	simm.s32 @!p0 $0x3  }
0x16: {  	_ =	swait.ge @!p0 [sflag:s18], $0x400  }
0x17: {  	[sflag:s18] =	ssyncset.done @!p0 $0x0  }
0x18: {  	[sflag:s18] =	ssyncadd.s32 @!p0 $0xFFFFFC00  }
0x19: {  	[bflag:$0x0] =	sbarrier.arrive $0xFFFF  }
0x1a: {  	[tilespmem:s11], [sflag:$0x3] =	stream.linear.gather [spmem:s1], $0x2000, $0x38;
	[tilespmem:$0x1C900] =	vst v63  }
0x1b: {  	_ =	swait.ge [sflag:s12], $0x2000  }
0x1c: {  	[sflag:s12] =	ssyncset.done $0x0  }
0x1d: {  	[sflag:s12] =	ssyncadd.s32 $0xFFFFE000  }
0x1e: {  	_ =	swait.ge [sflag:s13], $0x18700  }
0x1f: {  	[sflag:s13] =	ssyncset.done $0x0  }
0x20: {  	s31 =	simm.s32 $0x18740;
	[sflag:s13] =	ssyncadd.s32 $0xFFFE7900  }
0x21: {  	v0 =	vld [tilespmem:s31+$0x30]  }
0x22: {  	v1 =	vld [tilespmem:s31+$0xFFFFFFD0]  }
0x23: {  	v2 =	vld [tilespmem:s31+$0xFFFFFFE0]  }
0x24: {  	v3 =	vld [tilespmem:s31+$0xFFFFFFF0]  }
0x25: {  	v4 =	vld [tilespmem:s31+$0x0]  }
0x26: {  	v5 =	vld [tilespmem:s31+$0x10];
	v0 =	vadd.s32 $0x1, v0  }
0x27: {  	v1 =	vadd.s32 $0x1, v1  }
0x28: {  	v2 =	vadd.s32 $0x1, v2  }
0x29: {  	v6 =	vld [tilespmem:s31+$0x20];
	v3 =	vadd.s32 $0x1, v3  }
0x2a: {  	v8 =	vld [tilespmem:s31+$0xFFFFFFC0];
	v9 =	vadd.s32 $0x1, v4  }
0x2b: {  	v10 =	vadd.s32 $0x1, v5;
	v7 =	vld.idx.msk [tilespmem:v0+s2+$0x0], $0xffff  }
0x2c: {  	v4 =	vld.idx.msk [tilespmem:v1+s2+$0x0], $0xffff  }
0x2d: {  	v5 =	vld.idx.msk [tilespmem:v2+s2+$0x0], $0xffff  }
0x2e: {  	v3 =	vld.idx.msk [tilespmem:v3+s2+$0x0], $0xffff  }
0x2f: {  	v2 =	vld.idx.msk [tilespmem:v9+s2+$0x0], $0xffff  }
0x30: {  	s19 =	simm.s32 $0x0;
	s20 =	simm.s32 $0x187C0;
	s18 =	simm.s32 $0x1A740;
	v0 =	vadd.s32 $0x1, v6;
	v1 =	vadd.s32 $0x1, v8;
	v6 =	vld.idx.msk [tilespmem:v10+s2+$0x0], $0xffff  }
.LBB2_2:
0x31: {  	v8 =	vld [tilespmem:s20+$0x30];
	s19 =	sadd.s32 $0x8, s19;
	[tilespmem:s18+$0x30] =	vst v7  }
0x32: {  	v7 =	vld [tilespmem:s20+$0xFFFFFFD0];
	p1 =	slt.u32 s19, $0xF8;
	[tilespmem:s18+$0xFFFFFFD0] =	vst v4  }
0x33: {  	v4 =	vld [tilespmem:s20+$0xFFFFFFE0];
	[tilespmem:s18+$0xFFFFFFE0] =	vst v5  }
0x34: {  	v5 =	vld [tilespmem:s20+$0xFFFFFFF0];
	[tilespmem:s18+$0xFFFFFFF0] =	vst v3  }
0x35: {  	v3 =	vld [tilespmem:s20+$0x0];
	[tilespmem:s18+$0x0] =	vst v2  }
0x36: {  	v2 =	vld [tilespmem:s20+$0x10];
	v8 =	vadd.s32 $0x1, v8;
	[tilespmem:s18+$0x10] =	vst v6  }
0x37: {  	v6 =	vadd.s32 $0x1, v7;
	v9 =	vld [tilespmem:s20+$0x20]  }
0x38: {  	v10 =	vld [tilespmem:s20+$0xFFFFFFC0];
	v11 =	vadd.s32 $0x1, v4  }
0x39: {  	v12 =	vadd.s32 $0x1, v5;
	v13 =	vld.idx.msk [tilespmem:v1+s2+$0x0], $0xffff  }
0x3a: {  	v14 =	vadd.s32 $0x1, v3;
	v15 =	vld.idx.msk [tilespmem:v0+s2+$0x0], $0xffff  }
0x3b: {  	v16 =	vadd.s32 $0x1, v2;
	v7 =	vld.idx.msk [tilespmem:v8+s2+$0x0], $0xffff  }
.Ltmp0:
0x3c: {  	v4 =	vld.idx.msk [tilespmem:v6+s2+$0x0], $0xffff;
	v0 =	vadd.s32 $0x1, v9;
	(pc) =	sbr.rel @p1 .LBB2_2-.Ltmp0, $4  }
0x3d: {  	v1 =	vadd.s32 $0x1, v10;
	v5 =	vld.idx.msk [tilespmem:v11+s2+$0x0], $0xffff  }
0x3e: {  	v3 =	vld.idx.msk [tilespmem:v12+s2+$0x0], $0xffff  }
0x3f: {  	v2 =	vld.idx.msk [tilespmem:v14+s2+$0x0], $0xffff;
	[tilespmem:s18+$0xFFFFFFC0] =	vst v13  }
0x40: {  	s20 =	sadd.s32 $0x80, s20;
	v6 =	vld.idx.msk [tilespmem:v16+s2+$0x0], $0xffff;
	[tilespmem:s18+$0x20] =	vst v15;
	s18 =	sadd.s32 $0x80, s18  }
0x41: {  	_ =	sdelay $0x2  }
0x42: {  	[tilespmem:s18+$0x30] =	vst v7  }
0x43: {  	[tilespmem:s18+$0xFFFFFFD0] =	vst v4;
	v1 =	vld.idx.msk [tilespmem:v1+s2+$0x0], $0xffff  }
0x44: {  	v0 =	vld.idx.msk [tilespmem:v0+s2+$0x0], $0xffff;
	[tilespmem:s18+$0xFFFFFFE0] =	vst v5  }
0x45: {  	[tilespmem:s18+$0xFFFFFFF0] =	vst v3  }
0x46: {  	[tilespmem:s18+$0x0] =	vst v2  }
0x47: {  	[tilespmem:s18+$0x10] =	vst v6  }
0x48: {  	[tilespmem:s18+$0xFFFFFFC0] =	vst v1  }
0x49: {  	s31 =	simm.s32 $0x19770;
	[tilespmem:s18+$0x20] =	vst v0  }
0x4a: {  	[hbm4b:s3+s8] =	stream.strided.scatter [tilespmem:s14], [sflag:$0x2], $0x1000, s9, s8, $0x38;
	[tilespmem:$0x1C900] =	vst v63  }
0x4b: {  	v0 =	vld [tilespmem:s31+$0x0]  }
0x4c: {  	v1 =	vld [tilespmem:s31+$0xFFFFFFA0]  }
0x4d: {  	v2 =	vld [tilespmem:s31+$0xFFFFFFB0]  }
0x4e: {  	v3 =	vld [tilespmem:s31+$0xFFFFFFC0]  }
0x4f: {  	v4 =	vld [tilespmem:s31+$0xFFFFFFD0]  }
0x50: {  	v5 =	vld [tilespmem:s31+$0xFFFFFFE0];
	v0 =	vadd.s32 $0x1, v0  }
0x51: {  	v1 =	vadd.s32 $0x1, v1  }
0x52: {  	v2 =	vadd.s32 $0x1, v2  }
0x53: {  	v6 =	vld [tilespmem:s31+$0xFFFFFFF0];
	v3 =	vadd.s32 $0x1, v3  }
0x54: {  	v8 =	vld [tilespmem:s31+$0xFFFFFF90];
	v9 =	vadd.s32 $0x1, v4  }
0x55: {  	v10 =	vadd.s32 $0x1, v5;
	v7 =	vld.idx.msk [tilespmem:v0+s2+$0x0], $0xffff  }
0x56: {  	v4 =	vld.idx.msk [tilespmem:v1+s2+$0x0], $0xffff  }
0x57: {  	v5 =	vld.idx.msk [tilespmem:v2+s2+$0x0], $0xffff  }
0x58: {  	v3 =	vld.idx.msk [tilespmem:v3+s2+$0x0], $0xffff  }
0x59: {  	v2 =	vld.idx.msk [tilespmem:v9+s2+$0x0], $0xffff  }
0x5a: {  	s19 =	simm.s32 $0x100;
	s20 =	simm.s32 $0x197F0;
	s18 =	simm.s32 $0x1B770;
	v0 =	vadd.s32 $0x1, v6;
	v1 =	vadd.s32 $0x1, v8;
	v6 =	vld.idx.msk [tilespmem:v10+s2+$0x0], $0xffff  }
.LBB2_4:
0x5b: {  	v8 =	vld [tilespmem:s20+$0x0];
	s19 =	sadd.s32 $0x8, s19;
	[tilespmem:s18+$0x0] =	vst v7  }
0x5c: {  	v7 =	vld [tilespmem:s20+$0xFFFFFFA0];
	p1 =	slt.u32 s19, $0x1F8;
	[tilespmem:s18+$0xFFFFFFA0] =	vst v4  }
0x5d: {  	v4 =	vld [tilespmem:s20+$0xFFFFFFB0];
	[tilespmem:s18+$0xFFFFFFB0] =	vst v5  }
0x5e: {  	v5 =	vld [tilespmem:s20+$0xFFFFFFC0];
	[tilespmem:s18+$0xFFFFFFC0] =	vst v3  }
0x5f: {  	v3 =	vld [tilespmem:s20+$0xFFFFFFD0];
	[tilespmem:s18+$0xFFFFFFD0] =	vst v2  }
0x60: {  	v2 =	vld [tilespmem:s20+$0xFFFFFFE0];
	v8 =	vadd.s32 $0x1, v8;
	[tilespmem:s18+$0xFFFFFFE0] =	vst v6  }
0x61: {  	v6 =	vadd.s32 $0x1, v7;
	v9 =	vld [tilespmem:s20+$0xFFFFFFF0]  }
0x62: {  	v10 =	vld [tilespmem:s20+$0xFFFFFF90];
	v11 =	vadd.s32 $0x1, v4  }
0x63: {  	v12 =	vadd.s32 $0x1, v5;
	v13 =	vld.idx.msk [tilespmem:v1+s2+$0x0], $0xffff  }
0x64: {  	v14 =	vadd.s32 $0x1, v3;
	v15 =	vld.idx.msk [tilespmem:v0+s2+$0x0], $0xffff  }
0x65: {  	v16 =	vadd.s32 $0x1, v2;
	v7 =	vld.idx.msk [tilespmem:v8+s2+$0x0], $0xffff  }
.Ltmp1:
0x66: {  	v4 =	vld.idx.msk [tilespmem:v6+s2+$0x0], $0xffff;
	v0 =	vadd.s32 $0x1, v9;
	(pc) =	sbr.rel @p1 .LBB2_4-.Ltmp1, $4  }
0x67: {  	v1 =	vadd.s32 $0x1, v10;
	v5 =	vld.idx.msk [tilespmem:v11+s2+$0x0], $0xffff  }
0x68: {  	v3 =	vld.idx.msk [tilespmem:v12+s2+$0x0], $0xffff  }
0x69: {  	v2 =	vld.idx.msk [tilespmem:v14+s2+$0x0], $0xffff;
	[tilespmem:s18+$0xFFFFFF90] =	vst v13  }
0x6a: {  	s20 =	sadd.s32 $0x80, s20;
	v6 =	vld.idx.msk [tilespmem:v16+s2+$0x0], $0xffff;
	[tilespmem:s18+$0xFFFFFFF0] =	vst v15;
	s18 =	sadd.s32 $0x80, s18  }
0x6b: {  	_ =	sdelay $0x2  }
0x6c: {  	[tilespmem:s18+$0x0] =	vst v7  }
0x6d: {  	[tilespmem:s18+$0xFFFFFFA0] =	vst v4;
	v1 =	vld.idx.msk [tilespmem:v1+s2+$0x0], $0xffff  }
0x6e: {  	v0 =	vld.idx.msk [tilespmem:v0+s2+$0x0], $0xffff;
	[tilespmem:s18+$0xFFFFFFB0] =	vst v5  }
0x6f: {  	[tilespmem:s18+$0xFFFFFFC0] =	vst v3  }
0x70: {  	[tilespmem:s18+$0xFFFFFFD0] =	vst v2  }
0x71: {  	[tilespmem:s18+$0xFFFFFFE0] =	vst v6  }
0x72: {  	[tilespmem:s18+$0xFFFFFF90] =	vst v1  }
0x73: {  	s17 =	sadd.s32 $0x1, s17;
	[tilespmem:s18+$0xFFFFFFF0] =	vst v0  }
0x74: {  	[hbm4b:s6+s8] =	stream.strided.scatter [tilespmem:s15], [sflag:$0x2], $0x1000, s9, s8, $0x38;
	[tilespmem:$0x1C900] =	vst v63  }
0x75: {  	p1 =	sne.s32 s17, s7;
	_ =	swait.ge [sflag:s16], $0x1000  }
.Ltmp2:
0x76: {  	[sflag:s16] =	ssyncset.done $0x0;
	(pc) =	sbr.rel @p1 .LBB2_1-.Ltmp2, $4  }
0x77: {  	[sflag:s16] =	ssyncadd.s32 $0xFFFFF000  }
0x78: {  	_ =	swait.ge [sflag:s16], $0x1000  }
0x79: {  	[sflag:s16] =	ssyncset.done $0x0  }
0x7a: {  	[sflag:s16] =	ssyncadd.s32 $0xFFFFF000  }
0x7b: {  	_ =	sfence.sel $0x180000  }
0x7c: {  	[bflag:$0x0] =	sbarrier.arrive $0xFFFF  }
0x7d: {  	_ =	strace $0x90000047  }
0x7e: {  	s0 =	sadd.s32 @!p0 $0x100000, s0;
	[bflag:$0x2] =	sbarrier.arrive $0xFFFF  }
0x7f: {  	[sflag:s0] =	ssyncadd.tile.s32 @!p0 $0x1;
	_ =	shalt  }
.Lfunc_end2:
_tile_overlayer_lowered:
.L_overlay_start_2:
0x80: {  	(tag) =	ssettag $0x2  }
0x81: {  	s0 =	rddreg [dreg:$0x0];
	s2 =	stileid.u32  }
0x82: {  	s1 =	rddreg [dreg:$0x1];
	p0 =	sne.s32 s2, $0x0  }
0x83: {  	s3 =	rddreg [dreg:$0x2];
	[bflag:$0x3] =	sbarrier.arrive $0xFFFF;
	s2 =	simm.s32 @!p0 $0x1C03  }
0x84: {  	[timem:s3], [sflag:s2] =	dma.local @!p0 [hbm:s0], s1  }
0x85: {  	s0 =	simm.s32 @!p0 $0x3  }
0x86: {  	_ =	swait.ge @!p0 [sflag:s0], s1  }
0x87: {  	s1 =	ssub.s32 @!p0 $0x0, s1;
	[sflag:s0] =	ssyncset.done @!p0 $0x0  }
0x88: {  	[sflag:s0] =	ssyncadd.s32 @!p0 s1  }
0x89: {  	[bflag:$0x3] =	sbarrier.arrive $0xFFFF  }
0x8a: {  	_ =	shalt  }

</sc_bundles>
